<compile_context>
chip_gen: v7x
topology: tpu7x:2x2x1
jax: 0.10.2.dev20260603
libtpu: 0.0.44.dev20260713+nightly
codegen_flags: <defaults>
</compile_context>

<pallas_src>
import functools

import jax
import jax.numpy as jnp
from jax import lax
from jax.experimental import pallas as pl
from jax.experimental.pallas import tpu as pltpu
from jax.experimental.pallas import tpu_sc as plsc

_N_PATTERNS = 11
_EMBED = 64
_BATCH = 16384

_info = plsc.get_sparse_core_info()
_NC, _NS, _L = _info.num_cores, _info.num_subcores, _info.num_lanes
_NW = _NC * _NS
_BPW = _BATCH // _NW

_mesh = plsc.VectorSubcoreMesh(core_axis_name="c", subcore_axis_name="s")


@functools.partial(
    pl.kernel,
    mesh=_mesh,
    compiler_params=pltpu.CompilerParams(
        use_tc_tiling_on_sc=True,
        needs_layout_passes=False,
    ),
    out_type=(
        jax.ShapeDtypeStruct((_EMBED, _BATCH), jnp.float32),
        jax.ShapeDtypeStruct((_BATCH,), jnp.float32),
    ),
    scratch_types=[
        pltpu.VMEM((_BPW,), jnp.int32),
        pltpu.VMEM((_N_PATTERNS, _EMBED), jnp.float32),
        pltpu.VMEM((_N_PATTERNS,), jnp.float32),
        pltpu.VMEM((_EMBED, _BPW), jnp.float32),
        pltpu.VMEM((_BPW,), jnp.float32),
        pltpu.SemaphoreType.DMA,
    ],
)
def _sc_lookup(ids_hbm, table_hbm, w_hbm, out_hbm, wout_hbm,
               idx_v, tab_v, wtab_v, rows_v, wout_v, sem):
    wid = lax.axis_index("s") * _NC + lax.axis_index("c")
    base = wid * _BPW
    cp_ids = pltpu.async_copy(ids_hbm.at[pl.ds(base, _BPW)], idx_v, sem)
    cp_tab = pltpu.async_copy(table_hbm, tab_v, sem)
    cp_w = pltpu.async_copy(w_hbm, wtab_v, sem)
    cp_ids.wait()
    cp_tab.wait()
    cp_w.wait()

    lane = jnp.arange(_L, dtype=jnp.int32)

    _CQ = 8

    @plsc.parallel_loop(0, (_BPW // _L) * (_EMBED // _CQ), unroll=1)
    def _group(t):
        g = t // (_EMBED // _CQ)
        q = t % (_EMBED // _CQ)
        id_vec = idx_v[pl.ds(g * _L, _L)]
        rvec = lane + (g * _L)
        cbase = q * _CQ

        @pl.when(q == 0)
        def _weights():
            wout_v[pl.ds(g * _L, _L)] = plsc.load_gather(wtab_v, [id_vec])

        for c in range(_CQ):
            cvec = (lane + c + cbase) & (_EMBED - 1)
            val = plsc.load_gather(tab_v, [id_vec, cvec])
            plsc.store_scatter(rows_v, [cvec, rvec], val)

    cp_rows = pltpu.async_copy(rows_v, out_hbm.at[:, pl.ds(base, _BPW)], sem)
    cp_wout = pltpu.async_copy(wout_v, wout_hbm.at[pl.ds(base, _BPW)], sem)
    cp_rows.wait()
    cp_wout.wait()


def kernel(pattern_ids, pattern_embeddings, pattern_weights):
    ids = pattern_ids.astype(jnp.int32)
    emb_t, w = _sc_lookup(ids, pattern_embeddings, pattern_weights)
    return emb_t.T, w

# --- scband reference (transcript-rebuilt; emitter-appended) ---
"""Pipeline reference for scband-fixed-pattern-recognizer-14869176779083 (READ-ONLY COPY).

The authoritative reference and input builder live on the scoring server;
editing this copy changes nothing except your own understanding.
"""

import jax, jax.numpy as jnp
import numpy as np

NUM_PATTERNS = 11
EMBED_DIM = 64
BATCH = 16384

def setup_inputs(seed: int = 0) -> dict:
    key = jax.random.key(seed)
    k1, k2, k3 = jax.random.split(key, 3)
    pattern_ids = jax.random.randint(k1, (BATCH,), 0, NUM_PATTERNS, dtype=jnp.int64 if jax.config.jax_enable_x64 else jnp.int32)
    pattern_embeddings = jax.random.normal(k2, (NUM_PATTERNS, EMBED_DIM), dtype=jnp.float32)
    pattern_weights = jnp.ones((NUM_PATTERNS,), dtype=jnp.float32)
    return {"pattern_ids": pattern_ids, "pattern_embeddings": pattern_embeddings, "pattern_weights": pattern_weights}

def reference(pattern_ids, pattern_embeddings, pattern_weights):
    # Original forward: given a matched pattern id, look up its embedding.
    # Tensorized over a batch of matched pattern ids:
    #   emb = self.pattern_embeddings(pattern_id)
    emb = jnp.take(pattern_embeddings, pattern_ids, axis=0)
    # pattern_weights is a learned parameter associated with each pattern;
    # gather the matching weight alongside (keeps it in the graph faithfully).
    w = jnp.take(pattern_weights, pattern_ids, axis=0)
    return emb, w

if __name__ == "__main__":
    import jax
    _d = setup_inputs()
    print(jax.jit(kernel)(*tuple(_d.values())))

</pallas_src>

<mosaic_0001>
#map = affine_map<(d0, d1) -> (0)>
#map1 = affine_map<(d0, d1) -> (0, 0)>
module attributes {stable_mosaic.version = 14 : i64} {
  func.func @_sc_lookup(%arg0: i32, %arg1: i32, %arg2: memref<16384xi32, #tpu.memory_space<hbm>>, %arg3: memref<11x64xf32, #tpu.memory_space<hbm>>, %arg4: memref<11xf32, #tpu.memory_space<hbm>>, %arg5: memref<64x16384xf32, #tpu.memory_space<hbm>>, %arg6: memref<16384xf32, #tpu.memory_space<hbm>>, %arg7: memref<512xi32, #tpu.memory_space<vmem>>, %arg8: memref<11x64xf32, #tpu.memory_space<vmem>>, %arg9: memref<11xf32, #tpu.memory_space<vmem>>, %arg10: memref<64x512xf32, #tpu.memory_space<vmem>>, %arg11: memref<512xf32, #tpu.memory_space<vmem>>, %arg12: memref<!tpu.dma_semaphore, #tpu.memory_space<semaphore_mem>>) attributes {dimension_semantics = [#tpu.dimension_semantics<core_parallel>, #tpu.dimension_semantics<subcore_parallel>], iteration_bounds = array<i64: 2, 16>, scalar_prefetch = 0 : i64, scratch_operands = 6 : i64, tpu.core_type = #tpu.core_type<sc_vector_subcore>, window_params = [{transform_indices = #map}, {transform_indices = #map1}, {transform_indices = #map}, {transform_indices = #map1}, {transform_indices = #map}]} {
    %mul3A = arith.constant 2 : i32
    %mul3A_0 = arith.muli %arg1, %mul3A : i32
    %add3A = arith.addi %mul3A_0, %arg0 : i32
    %mul3A_1 = arith.constant 512 : i32
    %mul3A_2 = arith.muli %add3A, %mul3A_1 : i32
    %dma_start3A = tpu.memref_slice %arg2[%mul3A_2] : memref<16384xi32, #tpu.memory_space<hbm>> -> memref<512xi32, #tpu.memory_space<hbm>>
    %dma_start3A_3 = tpu.memref_slice %arg2[%mul3A_2] : memref<16384xi32, #tpu.memory_space<hbm>> -> memref<512xi32, #tpu.memory_space<hbm>>
    tpu.enqueue_dma source(%dma_start3A_3 : memref<512xi32, #tpu.memory_space<hbm>>) target(%arg7 : memref<512xi32, #tpu.memory_space<vmem>>) target_semaphore(%arg12 : memref<!tpu.dma_semaphore, #tpu.memory_space<semaphore_mem>>)
    tpu.enqueue_dma source(%arg3 : memref<11x64xf32, #tpu.memory_space<hbm>>) target(%arg8 : memref<11x64xf32, #tpu.memory_space<vmem>>) target_semaphore(%arg12 : memref<!tpu.dma_semaphore, #tpu.memory_space<semaphore_mem>>)
    tpu.enqueue_dma source(%arg4 : memref<11xf32, #tpu.memory_space<hbm>>) target(%arg9 : memref<11xf32, #tpu.memory_space<vmem>>) target_semaphore(%arg12 : memref<!tpu.dma_semaphore, #tpu.memory_space<semaphore_mem>>)
    %dma_wait3A = tpu.memref_slice %arg2[%mul3A_2] : memref<16384xi32, #tpu.memory_space<hbm>> -> memref<512xi32, #tpu.memory_space<hbm>>
    %dma_wait3A_4 = tpu.memref_slice %arg2[%mul3A_2] : memref<16384xi32, #tpu.memory_space<hbm>> -> memref<512xi32, #tpu.memory_space<hbm>>
    tpu.wait_dma2 semaphore(%arg12 : memref<!tpu.dma_semaphore, #tpu.memory_space<semaphore_mem>>) src(%dma_wait3A_4 : memref<512xi32, #tpu.memory_space<hbm>>) dst(%arg7 : memref<512xi32, #tpu.memory_space<vmem>>)
    tpu.wait_dma2 semaphore(%arg12 : memref<!tpu.dma_semaphore, #tpu.memory_space<semaphore_mem>>) src(%arg3 : memref<11x64xf32, #tpu.memory_space<hbm>>) dst(%arg8 : memref<11x64xf32, #tpu.memory_space<vmem>>)
    tpu.wait_dma2 semaphore(%arg12 : memref<!tpu.dma_semaphore, #tpu.memory_space<semaphore_mem>>) src(%arg4 : memref<11xf32, #tpu.memory_space<hbm>>) dst(%arg9 : memref<11xf32, #tpu.memory_space<vmem>>)
    %iota3A = tpu.iota {dimensions = array<i32: 0>} : vector<16xi32>
    %parallel_loop3A = arith.constant 0 : i32
    %parallel_loop3A_5 = arith.constant 256 : i32
    %parallel_loop3A_6 = arith.constant 1 : i32
    scf.for %parallel_loop3A_19 = %parallel_loop3A to %parallel_loop3A_5 step %parallel_loop3A_6  : i32 {
      %parallel_loop3A_20 = arith.constant 8 : i32
      %parallel_loop3A_21 = arith.divsi %parallel_loop3A_19, %parallel_loop3A_20 : i32
      %parallel_loop3A_22 = arith.constant 0 : i32
      %parallel_loop3A_23 = arith.cmpi sgt, %parallel_loop3A_19, %parallel_loop3A_22 : i32
      %parallel_loop3A_24 = arith.extui %parallel_loop3A_23 : i1 to i32
      %parallel_loop3A_25 = arith.constant 0 : i32
      %parallel_loop3A_26 = arith.cmpi slt, %parallel_loop3A_19, %parallel_loop3A_25 : i32
      %parallel_loop3A_27 = arith.extui %parallel_loop3A_26 : i1 to i32
      %parallel_loop3A_28 = arith.subi %parallel_loop3A_24, %parallel_loop3A_27 : i32
      %parallel_loop3A_29 = arith.constant 0 : i32
      %parallel_loop3A_30 = arith.cmpi sgt, %parallel_loop3A_20, %parallel_loop3A_29 : i32
      %parallel_loop3A_31 = arith.extui %parallel_loop3A_30 : i1 to i32
      %parallel_loop3A_32 = arith.constant 0 : i32
      %parallel_loop3A_33 = arith.cmpi slt, %parallel_loop3A_20, %parallel_loop3A_32 : i32
      %parallel_loop3A_34 = arith.extui %parallel_loop3A_33 : i1 to i32
      %parallel_loop3A_35 = arith.subi %parallel_loop3A_31, %parallel_loop3A_34 : i32
      %parallel_loop3A_36 = arith.cmpi ne, %parallel_loop3A_28, %parallel_loop3A_35 : i32
      %parallel_loop3A_37 = arith.remsi %parallel_loop3A_19, %parallel_loop3A_20 : i32
      %parallel_loop3A_38 = arith.constant 0 : i32
      %parallel_loop3A_39 = arith.cmpi ne, %parallel_loop3A_37, %parallel_loop3A_38 : i32
      %parallel_loop3A_40 = arith.andi %parallel_loop3A_36, %parallel_loop3A_39 : i1
      %parallel_loop3A_41 = arith.constant 1 : i32
      %parallel_loop3A_42 = arith.subi %parallel_loop3A_21, %parallel_loop3A_41 : i32
      %parallel_loop3A_43 = arith.select %parallel_loop3A_40, %parallel_loop3A_42, %parallel_loop3A_21 : i32
      %parallel_loop3A_44 = arith.constant 8 : i32
      %parallel_loop3A_45 = arith.constant 0 : i32
      %parallel_loop3A_46 = arith.cmpi eq, %parallel_loop3A_44, %parallel_loop3A_45 : i32
      %parallel_loop3A_47 = arith.constant 1 : i32
      %parallel_loop3A_48 = arith.select %parallel_loop3A_46, %parallel_loop3A_47, %parallel_loop3A_44 : i32
      %parallel_loop3A_49 = arith.remsi %parallel_loop3A_19, %parallel_loop3A_48 : i32
      %parallel_loop3A_50 = arith.constant 0 : i32
      %parallel_loop3A_51 = arith.cmpi ne, %parallel_loop3A_49, %parallel_loop3A_50 : i32
      %parallel_loop3A_52 = arith.constant 0 : i32
      %parallel_loop3A_53 = arith.cmpi slt, %parallel_loop3A_49, %parallel_loop3A_52 : i32
      %parallel_loop3A_54 = arith.constant 0 : i32
      %parallel_loop3A_55 = arith.cmpi slt, %parallel_loop3A_48, %parallel_loop3A_54 : i32
      %parallel_loop3A_56 = arith.xori %parallel_loop3A_53, %parallel_loop3A_55 : i1
      %parallel_loop3A_57 = arith.andi %parallel_loop3A_56, %parallel_loop3A_51 : i1
      %parallel_loop3A_58 = arith.addi %parallel_loop3A_49, %parallel_loop3A_48 : i32
      %parallel_loop3A_59 = arith.select %parallel_loop3A_57, %parallel_loop3A_58, %parallel_loop3A_49 : i32
      %parallel_loop3A_60 = arith.constant 16 : i32
      %parallel_loop3A_61 = arith.muli %parallel_loop3A_43, %parallel_loop3A_60 : i32
      %parallel_loop3A_62 = arith.index_cast %parallel_loop3A_61 : i32 to index
      %parallel_loop3A_63 = tpu.vector_load %arg7[%parallel_loop3A_62] {strides = array<i32>} : memref<512xi32, #tpu.memory_space<vmem>>, vector<16xi32>,
      %parallel_loop3A_64 = arith.constant 16 : i32
      %parallel_loop3A_65 = arith.muli %parallel_loop3A_43, %parallel_loop3A_64 : i32
      %parallel_loop3A_66 = vector.broadcast %parallel_loop3A_65 : i32 to vector<16xi32>
      %parallel_loop3A_67 = arith.addi %iota3A, %parallel_loop3A_66 : vector<16xi32>
      %parallel_loop3A_68 = arith.constant 8 : i32
      %parallel_loop3A_69 = arith.muli %parallel_loop3A_59, %parallel_loop3A_68 : i32
      %parallel_loop3A_70 = arith.constant 0 : i32
      %parallel_loop3A_71 = arith.cmpi eq, %parallel_loop3A_59, %parallel_loop3A_70 : i32
      %parallel_loop3A_72 = arith.extui %parallel_loop3A_71 : i1 to i32
      %parallel_loop3A_73 = arith.constant 0 : i32
      %parallel_loop3A_74 = arith.cmpi ne, %parallel_loop3A_72, %parallel_loop3A_73 : i32
      scf.if %parallel_loop3A_74 {
        %parallel_loop3A_147 = tpu.vector_load_idx %arg9[%parallel_loop3A_63] : memref<11xf32, #tpu.memory_space<vmem>>[vector<16xi32>], vector<16xf32>,
        %parallel_loop3A_148 = arith.constant 16 : i32
        %parallel_loop3A_149 = arith.muli %parallel_loop3A_43, %parallel_loop3A_148 : i32
        %parallel_loop3A_150 = arith.index_cast %parallel_loop3A_149 : i32 to index
        %parallel_loop3A_151 = tpu.vector_load %arg11[%parallel_loop3A_150] {strides = array<i32>} : memref<512xf32, #tpu.memory_space<vmem>>, vector<16xf32>,
        tpu.vector_store %arg11[%parallel_loop3A_150], %parallel_loop3A_147 {strides = array<i32>} : memref<512xf32, #tpu.memory_space<vmem>>, vector<16xf32>,
      } else {
      }
      %parallel_loop3A_75 = arith.constant 0 : i32
      %parallel_loop3A_76 = vector.broadcast %parallel_loop3A_75 : i32 to vector<16xi32>
      %parallel_loop3A_77 = arith.addi %iota3A, %parallel_loop3A_76 : vector<16xi32>
      %parallel_loop3A_78 = vector.broadcast %parallel_loop3A_69 : i32 to vector<16xi32>
      %parallel_loop3A_79 = arith.addi %parallel_loop3A_77, %parallel_loop3A_78 : vector<16xi32>
      %parallel_loop3A_80 = arith.constant 63 : i32
      %parallel_loop3A_81 = vector.broadcast %parallel_loop3A_80 : i32 to vector<16xi32>
      %parallel_loop3A_82 = arith.andi %parallel_loop3A_79, %parallel_loop3A_81 : vector<16xi32>
      %parallel_loop3A_83 = tpu.vector_load_idx %arg8[%parallel_loop3A_63, %parallel_loop3A_82] : memref<11x64xf32, #tpu.memory_space<vmem>>[vector<16xi32>, vector<16xi32>], vector<16xf32>,
      tpu.vector_store_idx %arg10[%parallel_loop3A_82, %parallel_loop3A_67], %parallel_loop3A_83 : memref<64x512xf32, #tpu.memory_space<vmem>>[vector<16xi32>, vector<16xi32>], vector<16xf32>,
      %parallel_loop3A_84 = arith.constant 1 : i32
      %parallel_loop3A_85 = vector.broadcast %parallel_loop3A_84 : i32 to vector<16xi32>
      %parallel_loop3A_86 = arith.addi %iota3A, %parallel_loop3A_85 : vector<16xi32>
      %parallel_loop3A_87 = vector.broadcast %parallel_loop3A_69 : i32 to vector<16xi32>
      %parallel_loop3A_88 = arith.addi %parallel_loop3A_86, %parallel_loop3A_87 : vector<16xi32>
      %parallel_loop3A_89 = arith.constant 63 : i32
      %parallel_loop3A_90 = vector.broadcast %parallel_loop3A_89 : i32 to vector<16xi32>
      %parallel_loop3A_91 = arith.andi %parallel_loop3A_88, %parallel_loop3A_90 : vector<16xi32>
      %parallel_loop3A_92 = tpu.vector_load_idx %arg8[%parallel_loop3A_63, %parallel_loop3A_91] : memref<11x64xf32, #tpu.memory_space<vmem>>[vector<16xi32>, vector<16xi32>], vector<16xf32>,
      tpu.vector_store_idx %arg10[%parallel_loop3A_91, %parallel_loop3A_67], %parallel_loop3A_92 : memref<64x512xf32, #tpu.memory_space<vmem>>[vector<16xi32>, vector<16xi32>], vector<16xf32>,
      %parallel_loop3A_93 = arith.constant 2 : i32
      %parallel_loop3A_94 = vector.broadcast %parallel_loop3A_93 : i32 to vector<16xi32>
      %parallel_loop3A_95 = arith.addi %iota3A, %parallel_loop3A_94 : vector<16xi32>
      %parallel_loop3A_96 = vector.broadcast %parallel_loop3A_69 : i32 to vector<16xi32>
      %parallel_loop3A_97 = arith.addi %parallel_loop3A_95, %parallel_loop3A_96 : vector<16xi32>
      %parallel_loop3A_98 = arith.constant 63 : i32
      %parallel_loop3A_99 = vector.broadcast %parallel_loop3A_98 : i32 to vector<16xi32>
      %parallel_loop3A_100 = arith.andi %parallel_loop3A_97, %parallel_loop3A_99 : vector<16xi32>
      %parallel_loop3A_101 = tpu.vector_load_idx %arg8[%parallel_loop3A_63, %parallel_loop3A_100] : memref<11x64xf32, #tpu.memory_space<vmem>>[vector<16xi32>, vector<16xi32>], vector<16xf32>,
      tpu.vector_store_idx %arg10[%parallel_loop3A_100, %parallel_loop3A_67], %parallel_loop3A_101 : memref<64x512xf32, #tpu.memory_space<vmem>>[vector<16xi32>, vector<16xi32>], vector<16xf32>,
      %parallel_loop3A_102 = arith.constant 3 : i32
      %parallel_loop3A_103 = vector.broadcast %parallel_loop3A_102 : i32 to vector<16xi32>
      %parallel_loop3A_104 = arith.addi %iota3A, %parallel_loop3A_103 : vector<16xi32>
      %parallel_loop3A_105 = vector.broadcast %parallel_loop3A_69 : i32 to vector<16xi32>
      %parallel_loop3A_106 = arith.addi %parallel_loop3A_104, %parallel_loop3A_105 : vector<16xi32>
      %parallel_loop3A_107 = arith.constant 63 : i32
      %parallel_loop3A_108 = vector.broadcast %parallel_loop3A_107 : i32 to vector<16xi32>
      %parallel_loop3A_109 = arith.andi %parallel_loop3A_106, %parallel_loop3A_108 : vector<16xi32>
      %parallel_loop3A_110 = tpu.vector_load_idx %arg8[%parallel_loop3A_63, %parallel_loop3A_109] : memref<11x64xf32, #tpu.memory_space<vmem>>[vector<16xi32>, vector<16xi32>], vector<16xf32>,
      tpu.vector_store_idx %arg10[%parallel_loop3A_109, %parallel_loop3A_67], %parallel_loop3A_110 : memref<64x512xf32, #tpu.memory_space<vmem>>[vector<16xi32>, vector<16xi32>], vector<16xf32>,
      %parallel_loop3A_111 = arith.constant 4 : i32
      %parallel_loop3A_112 = vector.broadcast %parallel_loop3A_111 : i32 to vector<16xi32>
      %parallel_loop3A_113 = arith.addi %iota3A, %parallel_loop3A_112 : vector<16xi32>
      %parallel_loop3A_114 = vector.broadcast %parallel_loop3A_69 : i32 to vector<16xi32>
      %parallel_loop3A_115 = arith.addi %parallel_loop3A_113, %parallel_loop3A_114 : vector<16xi32>
      %parallel_loop3A_116 = arith.constant 63 : i32
      %parallel_loop3A_117 = vector.broadcast %parallel_loop3A_116 : i32 to vector<16xi32>
      %parallel_loop3A_118 = arith.andi %parallel_loop3A_115, %parallel_loop3A_117 : vector<16xi32>
      %parallel_loop3A_119 = tpu.vector_load_idx %arg8[%parallel_loop3A_63, %parallel_loop3A_118] : memref<11x64xf32, #tpu.memory_space<vmem>>[vector<16xi32>, vector<16xi32>], vector<16xf32>,
      tpu.vector_store_idx %arg10[%parallel_loop3A_118, %parallel_loop3A_67], %parallel_loop3A_119 : memref<64x512xf32, #tpu.memory_space<vmem>>[vector<16xi32>, vector<16xi32>], vector<16xf32>,
      %parallel_loop3A_120 = arith.constant 5 : i32
      %parallel_loop3A_121 = vector.broadcast %parallel_loop3A_120 : i32 to vector<16xi32>
      %parallel_loop3A_122 = arith.addi %iota3A, %parallel_loop3A_121 : vector<16xi32>
      %parallel_loop3A_123 = vector.broadcast %parallel_loop3A_69 : i32 to vector<16xi32>
      %parallel_loop3A_124 = arith.addi %parallel_loop3A_122, %parallel_loop3A_123 : vector<16xi32>
      %parallel_loop3A_125 = arith.constant 63 : i32
      %parallel_loop3A_126 = vector.broadcast %parallel_loop3A_125 : i32 to vector<16xi32>
      %parallel_loop3A_127 = arith.andi %parallel_loop3A_124, %parallel_loop3A_126 : vector<16xi32>
      %parallel_loop3A_128 = tpu.vector_load_idx %arg8[%parallel_loop3A_63, %parallel_loop3A_127] : memref<11x64xf32, #tpu.memory_space<vmem>>[vector<16xi32>, vector<16xi32>], vector<16xf32>,
      tpu.vector_store_idx %arg10[%parallel_loop3A_127, %parallel_loop3A_67], %parallel_loop3A_128 : memref<64x512xf32, #tpu.memory_space<vmem>>[vector<16xi32>, vector<16xi32>], vector<16xf32>,
      %parallel_loop3A_129 = arith.constant 6 : i32
      %parallel_loop3A_130 = vector.broadcast %parallel_loop3A_129 : i32 to vector<16xi32>
      %parallel_loop3A_131 = arith.addi %iota3A, %parallel_loop3A_130 : vector<16xi32>
      %parallel_loop3A_132 = vector.broadcast %parallel_loop3A_69 : i32 to vector<16xi32>
      %parallel_loop3A_133 = arith.addi %parallel_loop3A_131, %parallel_loop3A_132 : vector<16xi32>
      %parallel_loop3A_134 = arith.constant 63 : i32
      %parallel_loop3A_135 = vector.broadcast %parallel_loop3A_134 : i32 to vector<16xi32>
      %parallel_loop3A_136 = arith.andi %parallel_loop3A_133, %parallel_loop3A_135 : vector<16xi32>
      %parallel_loop3A_137 = tpu.vector_load_idx %arg8[%parallel_loop3A_63, %parallel_loop3A_136] : memref<11x64xf32, #tpu.memory_space<vmem>>[vector<16xi32>, vector<16xi32>], vector<16xf32>,
      tpu.vector_store_idx %arg10[%parallel_loop3A_136, %parallel_loop3A_67], %parallel_loop3A_137 : memref<64x512xf32, #tpu.memory_space<vmem>>[vector<16xi32>, vector<16xi32>], vector<16xf32>,
      %parallel_loop3A_138 = arith.constant 7 : i32
      %parallel_loop3A_139 = vector.broadcast %parallel_loop3A_138 : i32 to vector<16xi32>
      %parallel_loop3A_140 = arith.addi %iota3A, %parallel_loop3A_139 : vector<16xi32>
      %parallel_loop3A_141 = vector.broadcast %parallel_loop3A_69 : i32 to vector<16xi32>
      %parallel_loop3A_142 = arith.addi %parallel_loop3A_140, %parallel_loop3A_141 : vector<16xi32>
      %parallel_loop3A_143 = arith.constant 63 : i32
      %parallel_loop3A_144 = vector.broadcast %parallel_loop3A_143 : i32 to vector<16xi32>
      %parallel_loop3A_145 = arith.andi %parallel_loop3A_142, %parallel_loop3A_144 : vector<16xi32>
      %parallel_loop3A_146 = tpu.vector_load_idx %arg8[%parallel_loop3A_63, %parallel_loop3A_145] : memref<11x64xf32, #tpu.memory_space<vmem>>[vector<16xi32>, vector<16xi32>], vector<16xf32>,
      tpu.vector_store_idx %arg10[%parallel_loop3A_145, %parallel_loop3A_67], %parallel_loop3A_146 : memref<64x512xf32, #tpu.memory_space<vmem>>[vector<16xi32>, vector<16xi32>], vector<16xf32>,
    } {sc.loop_unroll_factor = 1 : i64, sc.parallel_access}
    %dma_start3A_7 = arith.constant 0 : i32
    %dma_start3A_8 = tpu.memref_slice %arg5[%dma_start3A_7, %mul3A_2] : memref<64x16384xf32, #tpu.memory_space<hbm>> -> memref<64x512xf32, #tpu.memory_space<hbm>>
    %dma_start3A_9 = arith.constant 0 : i32
    %dma_start3A_10 = tpu.memref_slice %arg5[%dma_start3A_9, %mul3A_2] : memref<64x16384xf32, #tpu.memory_space<hbm>> -> memref<64x512xf32, #tpu.memory_space<hbm>>
    tpu.enqueue_dma source(%arg10 : memref<64x512xf32, #tpu.memory_space<vmem>>) target(%dma_start3A_10 : memref<64x512xf32, #tpu.memory_space<hbm>>) target_semaphore(%arg12 : memref<!tpu.dma_semaphore, #tpu.memory_space<semaphore_mem>>)
    %dma_start3A_11 = tpu.memref_slice %arg6[%mul3A_2] : memref<16384xf32, #tpu.memory_space<hbm>> -> memref<512xf32, #tpu.memory_space<hbm>>
    %dma_start3A_12 = tpu.memref_slice %arg6[%mul3A_2] : memref<16384xf32, #tpu.memory_space<hbm>> -> memref<512xf32, #tpu.memory_space<hbm>>
    tpu.enqueue_dma source(%arg11 : memref<512xf32, #tpu.memory_space<vmem>>) target(%dma_start3A_12 : memref<512xf32, #tpu.memory_space<hbm>>) target_semaphore(%arg12 : memref<!tpu.dma_semaphore, #tpu.memory_space<semaphore_mem>>)
    %dma_wait3A_13 = arith.constant 0 : i32
    %dma_wait3A_14 = tpu.memref_slice %arg5[%dma_wait3A_13, %mul3A_2] : memref<64x16384xf32, #tpu.memory_space<hbm>> -> memref<64x512xf32, #tpu.memory_space<hbm>>
    %dma_wait3A_15 = arith.constant 0 : i32
    %dma_wait3A_16 = tpu.memref_slice %arg5[%dma_wait3A_15, %mul3A_2] : memref<64x16384xf32, #tpu.memory_space<hbm>> -> memref<64x512xf32, #tpu.memory_space<hbm>>
    tpu.wait_dma2 semaphore(%arg12 : memref<!tpu.dma_semaphore, #tpu.memory_space<semaphore_mem>>) src(%arg10 : memref<64x512xf32, #tpu.memory_space<vmem>>) dst(%dma_wait3A_16 : memref<64x512xf32, #tpu.memory_space<hbm>>)
    %dma_wait3A_17 = tpu.memref_slice %arg6[%mul3A_2] : memref<16384xf32, #tpu.memory_space<hbm>> -> memref<512xf32, #tpu.memory_space<hbm>>
    %dma_wait3A_18 = tpu.memref_slice %arg6[%mul3A_2] : memref<16384xf32, #tpu.memory_space<hbm>> -> memref<512xf32, #tpu.memory_space<hbm>>
    tpu.wait_dma2 semaphore(%arg12 : memref<!tpu.dma_semaphore, #tpu.memory_space<semaphore_mem>>) src(%arg11 : memref<512xf32, #tpu.memory_space<vmem>>) dst(%dma_wait3A_18 : memref<512xf32, #tpu.memory_space<hbm>>)
    return
  }
}

</mosaic_0001>

<sc_bundles>
// kernel: kernel.3.cloned.1.call-start
scs
__scs_entry_jumppad:
0x0: {  	(pc) =	sbr.rel $0x88, $3  }
0x1: {  	(tag) =	ssettag $0x0;
	lr =	simm.s32 $0x1  }
0x2: {  	[smem:$0x3F9E] =	sst lr;
	_ =	strace $0xD0000000  }
0x3: {  	_ = 	snop  }
0x4: {  	_ = 	snop  }
0x5: {  	_ = 	snop  }
0x6: {  	_ = 	snop  }
0x7: {  	_ = 	snop  }
__scs_overlays_trampoline_lowered:
0x8: {  	[smem:$0x3FAD] =	sst s0  }
0x9: {  	[smem:$0x3FAE] =	sst s1  }
0xa: {  	[smem:$0x3FAF] =	sst s2  }
0xb: {  	[smem:$0x3FB0] =	sst s3  }
0xc: {  	[smem:$0x3FB1] =	sst s4  }
0xd: {  	[smem:$0x3FB2] =	sst s5  }
0xe: {  	[smem:$0x3FB3] =	sst s6  }
0xf: {  	[smem:$0x3FB4] =	sst s7  }
0x10: {  	[smem:$0x3FB5] =	sst s8  }
0x11: {  	[smem:$0x3FB6] =	sst s9;
	s0 =	simm.s32 @!p0 $0x0  }
0x12: {  	s1 =	sld [smem:$0x3F9C];
	s0 =	simm.s32 @p0 $0x1  }
0x13: {  	[smem:$0x3FB7] =	sst s0;
	s0 =	simm.s32 @!p1 $0x0  }
0x14: {  	s2 =	sld [smem:$0x3F9B];
	s0 =	simm.s32 @p1 $0x1  }
0x15: {  	[smem:$0x3FB8] =	sst s0;
	s0 =	simm.s32 @!p2 $0x0  }
0x16: {  	s3 =	sld [smem:$0x3FDB];
	s0 =	simm.s32 @p2 $0x1  }
0x17: {  	s4 =	simm.s32 $0x1BF5;
	[smem:$0x3FBA] =	sst s0  }
0x18: {  	s0 =	sld [smem:$0x3F9D];
	_ =	swait.ge [sflag:s4], $0x0  }
0x19: {  	s7 =	sld [smem:$0x3F9E]  }
0x1a: {  	s8 =	sadd.s32 $0xFFFFE003, lr  }
0x1b: {  	s9 =	sadd.s32 $0xFFFFFEF7, lr;
	s5 =	simm.s32 $0xFFFFFFFF;
	p2 =	slt.u32 s8, $0xFFFFF086  }
0x1c: {  	p1 =	slt.u32 s9, $0xF7A;
	s5 =	simm.s32 @!p2 $0x0  }
0x1d: {  	s5 =	simm.s32 @p1 $0x1;
	p0 =	seq.s32 s7, s2  }
0x1e: {  	s7 =	smul.u32 @!p0 $0xF7A, s2;
	p2 =	seq.s32 @!p0 s5, $0x0  }
0x1f: {  	s9 =	smul.u32 $0xF7A, s1;
	s8 =	simm.s32 @!p0 $0x1BF5;
	p2 =	por !p2, p0  }
0x20: {  	[sflag:s8] =	ssyncset.s32 @!p0 $0xFFFFF086;
	s6 =	sadd.s32 @!p0 s3, s7;
	s7 =	simm.s32 @!p0 $0x108  }
0x21: {  	s3 =	sadd.s32 s3, s9;
	s6 =	sadd.s32 @!p0 $0x88, s6;
	s7 =	simm.s32 @p2 $0x1082  }
0x22: {  	[simem:s7], [sflag:s8] =	dma.local @!p0 [hbm:s6], $0xF7A  }
0x23: {  	s9 =	sor.u32 $0xD0000000, s2;
	s6 =	simm.s32 $0x108;
	_ =	swait.ge @!p0 [sflag:s8], $0x0  }
0x24: {  	s3 =	sadd.s32 $0x88, s3;
	s6 =	simm.s32 @!p1 $0x1082;
	[sflag:s4] =	ssyncset.s32 $0xFFFFF086  }
0x25: {  	[simem:s6], [sflag:s4] =	dma.local [hbm:s3], $0xF7A  }
0x26: {  	[smem:$0x3F9E] =	sst s1;
	(tag) =	ssettag s2;
	_ =	strace s9  }
0x27: {  	s1 =	sld [smem:$0x3FAE]  }
0x28: {  	s2 =	sld [smem:$0x3FAF]  }
0x29: {  	s4 =	sld [smem:$0x3FB1]  }
0x2a: {  	p0 =	seq.s32 s5, $0x0;
	s5 =	sld [smem:$0x3FB2]  }
0x2b: {  	s6 =	sld [smem:$0x3FB3]  }
0x2c: {  	s7 =	sld [smem:$0x3FB4]  }
0x2d: {  	s3 =	simm.s32 $0x108;
	s8 =	sld [smem:$0x3FB5]  }
0x2e: {  	s3 =	simm.s32 @!p0 $0x1082;
	s9 =	sld [smem:$0x3FB6]  }
0x2f: {  	lr =	sadd.s32 s0, s3;
	s0 =	sld [smem:$0x3FAD]  }
0x30: {  	s3 =	sld [smem:$0x3FB0]  }
0x31: {  	[smem:$0x3FB9] =	sst s10  }
0x32: {  	s10 =	sld [smem:$0x3FB7];
	_ =	sdelay $0x3  }
0x33: {  	p0 =	seq.s32 s10, $0x1;
	s10 =	sld [smem:$0x3FB9];
	_ =	sdelay $0x3  }
0x34: {  	[smem:$0x3FB9] =	sst s10  }
0x35: {  	s10 =	sld [smem:$0x3FB8];
	_ =	sdelay $0x3  }
0x36: {  	p1 =	seq.s32 s10, $0x1;
	s10 =	sld [smem:$0x3FB9];
	_ =	sdelay $0x3  }
0x37: {  	[smem:$0x3FB9] =	sst s10  }
0x38: {  	s10 =	sld [smem:$0x3FBA]  }
0x39: {  	_ = 	snop;
	(pc) =	sbr.ind lr, $3  }
0x3a: {  	_ = 	snop  }
0x3b: {  	_ = 	snop  }
0x3c: {  	p2 =	seq.s32 s10, $0x1;
	s10 =	sld [smem:$0x3FB9]  }
0x3d: {  	_ =	shalt  }
0x3e: {  	_ =	shalt  }
0x3f: {  	_ =	shalt  }
0x40: {  	_ =	shalt  }
0x41: {  	_ =	shalt  }
0x42: {  	_ =	shalt  }
0x43: {  	_ =	shalt  }
0x44: {  	_ =	shalt  }
0x45: {  	_ =	shalt  }
0x46: {  	_ =	shalt  }
0x47: {  	_ =	shalt  }
0x48: {  	_ =	shalt  }
0x49: {  	_ =	shalt  }
0x4a: {  	_ =	shalt  }
0x4b: {  	_ =	shalt  }
0x4c: {  	_ =	shalt  }
0x4d: {  	_ =	shalt  }
0x4e: {  	_ =	shalt  }
0x4f: {  	_ =	shalt  }
0x50: {  	_ =	shalt  }
0x51: {  	_ =	shalt  }
0x52: {  	_ =	shalt  }
0x53: {  	_ =	shalt  }
0x54: {  	_ =	shalt  }
0x55: {  	_ =	shalt  }
0x56: {  	_ =	shalt  }
0x57: {  	_ =	shalt  }
0x58: {  	_ =	shalt  }
0x59: {  	_ =	shalt  }
0x5a: {  	_ =	shalt  }
0x5b: {  	_ =	shalt  }
0x5c: {  	_ =	shalt  }
0x5d: {  	_ =	shalt  }
0x5e: {  	_ =	shalt  }
0x5f: {  	_ =	shalt  }
0x60: {  	_ =	shalt  }
0x61: {  	_ =	shalt  }
0x62: {  	_ =	shalt  }
0x63: {  	_ =	shalt  }
0x64: {  	_ =	shalt  }
0x65: {  	_ =	shalt  }
0x66: {  	_ =	shalt  }
0x67: {  	_ =	shalt  }
0x68: {  	_ =	shalt  }
0x69: {  	_ =	shalt  }
0x6a: {  	_ =	shalt  }
0x6b: {  	_ =	shalt  }
0x6c: {  	_ =	shalt  }
0x6d: {  	_ =	shalt  }
0x6e: {  	_ =	shalt  }
0x6f: {  	_ =	shalt  }
0x70: {  	_ =	shalt  }
0x71: {  	_ =	shalt  }
0x72: {  	_ =	shalt  }
0x73: {  	_ =	shalt  }
0x74: {  	_ =	shalt  }
0x75: {  	_ =	shalt  }
0x76: {  	_ =	shalt  }
0x77: {  	_ =	shalt  }
0x78: {  	_ =	shalt  }
0x79: {  	_ =	shalt  }
0x7a: {  	_ =	shalt  }
0x7b: {  	_ =	shalt  }
0x7c: {  	_ =	shalt  }
0x7d: {  	_ =	shalt  }
0x7e: {  	_ =	shalt  }
0x7f: {  	_ =	shalt  }
0x80: {  	_ =	shalt  }
0x81: {  	_ =	shalt  }
0x82: {  	_ =	shalt  }
0x83: {  	_ =	shalt  }
0x84: {  	_ =	shalt  }
0x85: {  	_ =	shalt  }
0x86: {  	_ =	shalt  }
0x87: {  	_ =	shalt  }
.Lfunc_end0:
.L_simem_size_0:
called_computation_lowered:
.L_overlay_start_0:
0x88: {  	s2 =	sld [smem:$0x3FD9]  }
0x89: {  	s3 =	sld [smem:$0x3FFE];
	_ =	sdelay $0x1  }
0x8a: {  	s1 =	srdreg.scid  }
0x8b: {  	s0 =	sand.u32 $0x1, s1  }
0x8c: {  	s15 =	sshll.u32 s0, $0xA;
	s2 =	sadd.s32 s3, s2  }
0x8d: {  	s2 =	sadd.s32 s2, s15  }
0x8e: {  	[smem:$0x3FC5] =	sst s2  }
0x8f: {  	_ = 	snop  }
0x90: {  	s2 =	sld [smem:$0x3FD0]  }
0x91: {  	s16 =	sld [smem:$0x3FC9]  }
0x92: {  	s4 =	sld [smem:$0x3FC8]  }
0x93: {  	s6 =	simm.s32 $0xA;
	s7 =	simm.s32 $0x10;
	s5 =	sld [smem:$0x3FC7]  }
0x94: {  	[smem:s7], [sflag:s6] =	dma.local [hbm:s2], $0x1  }
0x95: {  	_ =	swait.eq [sflag:s6], $0x1  }
0x96: {  	[sflag:s6] =	ssyncset.done $0x0  }
0x97: {  	s17 =	sld [smem:$0x10];
	[sflag:s6] =	ssyncadd.s32 $0xFFFFFFFF  }
0x98: {  	s18 =	sld [smem:$0x11];
	(tm) =	ssettm $0x1  }
0x99: {  	s19 =	sld [smem:$0x3FFB];
	_ =	sdelay $0x3  }
0x9a: {  	_ =	strace s19  }
0x9b: {  	s7 =	sld [smem:$0x3FFC];
	_ =	sdelay $0x3  }
0x9c: {  	_ =	strace s7  }
0x9d: {  	s7 =	sld [smem:$0x3FFD];
	_ =	sdelay $0x3  }
0x9e: {  	_ =	strace s7  }
0x9f: {  	_ =	strace $0x8FFFFFFF  }
0xa0: {  	s20 =	sld [smem:$0x3FDB];
	_ =	sdelay $0x1  }
0xa1: {  	s8 =	simm.s32 $_scs_section_size  }
0xa2: {  	s9 =	simm.s32 $_size__tile_overlayer_lowered;
	s10 =	simm.s32 $_tile_overlayer_lowered  }
0xa3: {  	s23 =	simm.s32 $0x1BFF;
	s22 =	sshll.u32 s10, $0x1;
	s7 =	sadd.s32 s8, s20  }
0xa4: {  	s11 =	simm.s32 $0x0;
	s21 =	sshll.u32 s9, $0x1;
	s9 =	sadd.s32 s22, s7  }
0xa5: {  	[timem:s11], [sflag:s23] =	dma.local [hbm:s9], s21  }
0xa6: {  	_ =	swait.ge [sflag:s23], s21  }
0xa7: {  	s8 =	ssub.s32 $0x0, s21;
	[sflag:s23] =	ssyncset.done $0x0  }
0xa8: {  	[sflag:s23] =	ssyncadd.s32 s8;
	_ =	sdelay $0x1  }
0xa9: {  	s24 =	simm.s32 $0x1B8B  }
0xaa: {  	_ =	swait.ge [sflag:s24], $0x1  }
0xab: {  	[sflag:s24] =	ssyncset.done $0x0  }
0xac: {  	s25 =	simm.s32 $0x1B8E;
	[sflag:s24] =	ssyncadd.s32 $0xFFFFFFFF  }
0xad: {  	s26 =	simm.s32 $execute0_lowered;
	[smem:$0x3FD2] =	sst s25  }
0xae: {  	s8 =	sshll.u32 s26, $0x1;
	_ =	strace $0x80000046;
	[dreg:$0x1] =	wrdreg $0xFFFFFFFF  }
0xaf: {  	s28 =	simm.s32 $_size_execute0_lowered;
	s7 =	sadd.s32 s7, s8;
	[dreg:$0x0] =	wrdreg $0x0  }
0xb0: {  	s8 =	sshll.u32 s28, $0x1;
	[dreg:$0x2] =	wrdreg s7  }
0xb1: {  	[dreg:$0x3] =	wrdreg s8  }
0xb2: {  	[dreg:$0x4] =	wrdreg $0xC0  }
0xb3: {  	_ =	task [dreg:s11], $0x5FFFF  }
0xb4: {  	[dreg:$0x1] =	wrdreg $0xFFFFFFFF  }
0xb5: {  	[dreg:$0x0] =	wrdreg $0x60  }
0xb6: {  	[dreg:$0x2] =	wrdreg s16  }
0xb7: {  	[dreg:$0x3] =	wrdreg s4  }
0xb8: {  	[dreg:$0x4] =	wrdreg s5  }
0xb9: {  	[dreg:$0x5] =	wrdreg s17  }
0xba: {  	[dreg:$0x6] =	wrdreg s18  }
0xbb: {  	[dreg:$0x7] =	wrdreg $0x9  }
0xbc: {  	_ =	task.clear_ibuf [dreg:s11], $0x8FFFF;
	_ =	strace $0x90000046  }
0xbd: {  	s29 =	simm.s32 $0x9;
	_ =	strace $0x80000048  }
0xbe: {  	_ =	swait.ge [sflag:s29], $0x1  }
0xbf: {  	[sflag:s29] =	ssyncadd.s32 $0xFFFFFFFF  }
0xc0: {  	_ =	strace $0x90000048  }
0xc1: {  	_ =	sfence  }
0xc2: {  	s30 =	sld [smem:$0x0];
	_ =	sdelay $0x2  }
0xc3: {  	s31 =	sshll.u32 s1, $0xD;
	s1 =	sshrl.u32 s1, $0x2  }
0xc4: {  	s3 =	sand.u32 $0x4000, s31;
	s1 =	sadd.s32 s1, s30  }
0xc5: {  	s0 =	sor.u32 s3, s0;
	s1 =	sshll.u32 s1, $0x11  }
0xc6: {  	s0 =	sor.u32 s1, s0  }
0xc7: {  	s0 =	sadd.s32 $0x8F2B, s0  }
0xc8: {  	[sflag:s0] =	ssyncadd.remote.s32 $0x1  }
0xc9: {  	_ =	sfence.sel $0xFFFF  }
0xca: {  	[dreg:$0x0] =	wrdreg $0xFFFFFFFF;
	(pc) =	sbr.abs _section_cstart, $3  }
0xcb: {  	[dreg:$0x1] =	wrdreg $0xFFFFFFFF  }
0xcc: {  	_ =	task.clear_ibuf [dreg:s11], $0x2FFFF;
	_ =	strace $0x9FFFFFFF  }
0xcd: {  	(tm) =	ssettm $0x7FFFFFFF  }
tec
execute0_lowered:
.L_overlay_start_1:
0x0: {  	(tag) =	ssettag $0x1  }
0x1: {  	vm13 =	vcmask $0x300;
	v0 =	vimm.s32 $0x0;
	vm12 =	vcmask $0x704  }
0x2: {  	vm11 =	vcmask $0xB08;
	vm10 =	vcmask $0xF0C;
	vm9 =	vcmask $0x1310  }
0x3: {  	vm8 =	vcmask $0x1714;
	vm7 =	vcmask $0x1B18;
	vm6 =	vcmask $0x2320  }
0x4: {  	vm5 =	vcmask $0x2724;
	vm4 =	vcmask $0x2B28;
	vm3 =	vcmask $0x2F2C  }
0x5: {  	vm2 =	vcmask $0x3330;
	vm1 =	vcmask $0x3734;
	vm0 =	vcmask $0x3B38  }
0x6: {  	v4 =	vimm.s32 $0x80;
	v6 =	vimm.s32 $0x100;
	v7 =	vimm.s32 $0x180  }
0x7: {  	v11 =	vimm.s32 $0x200;
	v12 =	vimm.s32 $0x280;
	v13 =	vimm.s32 $0x300  }
0x8: {  	v0 =	vsel vm13, $0x80, v0;
	v5 =	vsel vm13, $0x100, v4;
	v6 =	vsel vm13, $0x180, v6  }
0x9: {  	v7 =	vsel vm13, $0x200, v7;
	v11 =	vsel vm13, $0x280, v11;
	v12 =	vsel vm13, $0x300, v12  }
0xa: {  	v13 =	vsel vm13, $0x380, v13;
	v0 =	vsel vm12, $0x100, v0;
	v5 =	vsel vm12, $0x180, v5  }
0xb: {  	v6 =	vsel vm12, $0x200, v6;
	v7 =	vsel vm12, $0x280, v7;
	v11 =	vsel vm12, $0x300, v11  }
0xc: {  	v12 =	vsel vm12, $0x380, v12;
	v13 =	vsel vm12, $0x0, v13;
	v0 =	vsel vm11, $0x180, v0  }
0xd: {  	v5 =	vsel vm11, $0x200, v5;
	v6 =	vsel vm11, $0x280, v6;
	v7 =	vsel vm11, $0x300, v7  }
0xe: {  	v11 =	vsel vm11, $0x380, v11;
	v12 =	vsel vm11, $0x0, v12;
	v13 =	vsel vm11, $0x80, v13  }
0xf: {  	v0 =	vsel vm10, $0x200, v0;
	v5 =	vsel vm10, $0x280, v5;
	v6 =	vsel vm10, $0x300, v6  }
0x10: {  	v7 =	vsel vm10, $0x380, v7;
	v11 =	vsel vm10, $0x0, v11;
	v12 =	vsel vm10, $0x80, v12  }
0x11: {  	v13 =	vsel vm10, $0x100, v13;
	v0 =	vsel vm9, $0x280, v0;
	v5 =	vsel vm9, $0x300, v5  }
0x12: {  	v6 =	vsel vm9, $0x380, v6;
	v7 =	vsel vm9, $0x0, v7;
	v11 =	vsel vm9, $0x80, v11  }
0x13: {  	v12 =	vsel vm9, $0x100, v12;
	v13 =	vsel vm9, $0x180, v13;
	v0 =	vsel vm8, $0x300, v0  }
0x14: {  	v5 =	vsel vm8, $0x380, v5;
	v6 =	vsel vm8, $0x0, v6;
	v7 =	vsel vm8, $0x80, v7  }
0x15: {  	v11 =	vsel vm8, $0x100, v11;
	v12 =	vsel vm8, $0x180, v12;
	v13 =	vsel vm8, $0x200, v13  }
0x16: {  	v0 =	vsel vm7, $0x380, v0;
	v5 =	vsel vm7, $0x0, v5;
	v6 =	vsel vm7, $0x80, v6  }
0x17: {  	v7 =	vsel vm7, $0x100, v7;
	v11 =	vsel vm7, $0x180, v11;
	v12 =	vsel vm7, $0x200, v12  }
0x18: {  	v13 =	vsel vm7, $0x280, v13;
	v1 =	vsel vm6, $0x80, v0;
	v0 =	vlaneseq.u32  }
0x19: {  	v5 =	vsel vm6, $0x100, v5;
	v6 =	vsel vm6, $0x180, v6;
	v7 =	vsel vm6, $0x200, v7  }
0x1a: {  	v11 =	vsel vm6, $0x280, v11;
	v12 =	vsel vm6, $0x300, v12;
	v13 =	vsel vm6, $0x380, v13  }
0x1b: {  	v1 =	vsel vm5, $0x100, v1;
	v2 =	vand.u32 $0x7, v0;
	v4 =	vadd.s32 $0x2, v0  }
0x1c: {  	v5 =	vsel vm5, $0x180, v5;
	v6 =	vsel vm5, $0x200, v6;
	v7 =	vsel vm5, $0x280, v7  }
0x1d: {  	v10 =	vadd.s32 $0x5, v0;
	v11 =	vsel vm5, $0x300, v11;
	v12 =	vsel vm5, $0x380, v12  }
0x1e: {  	s5 =	rddreg [dreg:$0x0];
	v13 =	vsel vm5, $0x0, v13;
	v3 =	vsel vm4, $0x180, v1;
	v1 =	vmul.u32 $0x80, v2  }
0x1f: {  	s0 =	rddreg [dreg:$0x1];
	v2 =	vadd.s32 $0x1, v0;
	v5 =	vsel vm4, $0x200, v5;
	v6 =	vsel vm4, $0x280, v6  }
0x20: {  	s1 =	rddreg [dreg:$0x2];
	v7 =	vsel vm4, $0x300, v7;
	v11 =	vsel vm4, $0x380, v11;
	v12 =	vsel vm4, $0x0, v12  }
0x21: {  	s6 =	rddreg [dreg:$0x3];
	v13 =	vsel vm4, $0x80, v13;
	v3 =	vsel vm3, $0x200, v3;
	v5 =	vsel vm3, $0x280, v5  }
0x22: {  	s7 =	rddreg [dreg:$0x4];
	v6 =	vsel vm3, $0x300, v6;
	v9 =	vsel vm3, $0x380, v7;
	v11 =	vsel vm3, $0x0, v11  }
0x23: {  	s2 =	rddreg [dreg:$0x5];
	s8 =	srdreg.scid;
	v12 =	vsel vm3, $0x80, v12;
	v13 =	vsel vm3, $0x100, v13;
	v3 =	vsel vm2, $0x280, v3  }
0x24: {  	s4 =	simm.s32 $0x0;
	s3 =	stileid.u32;
	s12 =	simm.s32 $0xA80;
	v5 =	vsel vm2, $0x300, v5;
	v6 =	vsel vm2, $0x380, v6;
	v9 =	vsel vm2, $0x0, v9  }
0x25: {  	s13 =	simm.s32 $0x1000;
	s14 =	simm.s32 $0x20000;
	s15 =	simm.s32 $0x8A80;
	v11 =	vsel vm2, $0x80, v11;
	v14 =	vsel vm2, $0x100, v12;
	v13 =	vsel vm2, $0x180, v13  }
0x26: {  	s16 =	simm.s32 $0x0;
	s8 =	sand.u32 $0x1, s8;
	s10 =	sshll.u32 s3, $0xA;
	v12 =	vadd.s32 $0x6, v0;
	v3 =	vsel vm1, $0x300, v3;
	v5 =	vsel vm1, $0x380, v5  }
0x27: {  	[smem:$0x7FF] =	sst s4;
	s9 =	ssub.s32 $0x2, s8;
	s8 =	sshll.u32 s8, $0x9;
	v8 =	vsel vm1, $0x0, v6;
	v6 =	vadd.s32 $0x3, v0;
	v9 =	vsel vm1, $0x80, v9  }
0x28: {  	_ =	strace $0x80000047;
	s11 =	sshrl.u32 s9, $0x1;
	s8 =	sor.u32 s8, s10;
	v11 =	vsel vm1, $0x100, v11;
	v14 =	vsel vm1, $0x180, v14;
	v15 =	vsel vm1, $0x200, v13  }
0x29: {  	s9 =	ssub.s32 s9, s11;
	s10 =	sshrl.u32 s8, $0x3;
	s6 =	sadd.s32 s6, s8;
	v3 =	vsel vm0, $0x380, v3;
	v5 =	vsel vm0, $0x0, v5;
	v7 =	vsel vm0, $0x80, v8  }
0x2a: {  	s11 =	simm.s32 $0x1;
	s5 =	sadd.s32 s5, s10;
	s7 =	sadd.s32 s7, s10;
	v8 =	vadd.s32 $0x4, v0;
	v9 =	vsel vm0, $0x100, v9;
	v11 =	vsel vm0, $0x180, v11  }
0x2b: {  	s8 =	smax.u32 s9, $0x1;
	s9 =	simm.s32 $0x200;
	s10 =	simm.s32 $0xA00;
	v13 =	vsel vm0, $0x200, v14;
	v14 =	vadd.s32 $0x7, v0;
	v15 =	vsel vm0, $0x280, v15  }
.LBB2_1:
0x2c: {  	[tilespmem:s4], [sflag:$0x1] =	stream.linear.gather [hbm4b:s5+s4], $0x200, $0x38;
	[tilespmem:$0x8C80] =	vst v63  }
0x2d: {  	_ = 	snop  }
0x2e: {  	[tilespmem:s9], [sflag:$0x1] =	stream.linear.gather [hbm4b:s0+s4], $0x580, $0x38;
	[tilespmem:$0x8C80] =	vst v63  }
0x2f: {  	_ = 	snop  }
0x30: {  	[tilespmem:s10], [sflag:$0x1] =	stream.linear.gather [hbm4b:s1+s4], $0x80, $0x38;
	[tilespmem:$0x8C80] =	vst v63  }
0x31: {  	_ =	swait.ge [sflag:s11], $0x200  }
0x32: {  	[sflag:s11] =	ssyncset.done $0x0  }
0x33: {  	[sflag:s11] =	ssyncadd.s32 $0xFFFFFE00  }
0x34: {  	s17 =	sand.u32 $0x7, s4;
	_ =	swait.ge [sflag:s11], $0x580  }
0x35: {  	s18 =	sand.u32 $0x1F0, s4;
	s19 =	sshll.u32 s17, $0x3;
	[sflag:s11] =	ssyncset.done $0x0  }
0x36: {  	v17 =	vmov s18;
	v18 =	vor.u32 s18, v0;
	v19 =	vadd.s32 s19, v0;
	[sflag:s11] =	ssyncadd.s32 $0xFFFFFA80  }
0x37: {  	v17 =	vshll.u32 v17, $0x3;
	v20 =	vadd.s32 s19, v2;
	v18 =	vand.u32 $0x7F, v18;
	_ =	swait.ge [sflag:s11], $0x80  }
0x38: {  	v23 =	vadd.s32 s19, v8;
	v24 =	vadd.s32 s19, v6;
	v30 =	vadd.s32 s19, v10;
	[sflag:s11] =	ssyncset.done $0x0  }
0x39: {  	v32 =	vadd.s32 s19, v12;
	v21 =	vshll.u32 v19, $0x9;
	v17 =	vand.u32 $0xC00, v17;
	[sflag:s11] =	ssyncadd.s32 $0xFFFFFF80  }
0x3a: {  	v22 =	vshll.u32 v20, $0x9;
	v19 =	vand.u32 $0x3F, v19;
	v26 =	vand.u32 $0x3F, v23;
	v16 =	vld [tilespmem:s18+$0x0]  }
0x3b: {  	v28 =	vshll.u32 v24, $0x9;
	v23 =	vshll.u32 v23, $0x9;
	v31 =	vshll.u32 v30, $0x9  }
0x3c: {  	v33 =	vshll.u32 v32, $0x9;
	v21 =	vand.u32 $0x7000, v21;
	v17 =	vor.u32 v17, v18  }
0x3d: {  	v18 =	vand.u32 $0x3F, v20;
	v20 =	vand.u32 $0x7000, v22;
	v22 =	vadd.s32 s19, v4  }
0x3e: {  	v23 =	vand.u32 $0x7000, v23;
	v27 =	vand.u32 $0x3F, v22;
	v22 =	vshll.u32 v22, $0x9  }
0x3f: {  	v21 =	vor.u32 v21, v17;
	v20 =	vor.u32 v20, v17;
	v22 =	vand.u32 $0x7000, v22  }
0x40: {  	p0 =	sne.s32 s17, $0x0;
	v23 =	vor.u32 v23, v17;
	v21 =	vor.u32 v1, v21;
	v22 =	vor.u32 v22, v17  }
0x41: {  	s17 =	simm.s32 @!p0 $0xA00;
	v20 =	vor.u32 v3, v20;
	v37 =	vor.u32 v5, v22;
	v25 =	vshll.u32 v16, $0x7  }
0x42: {  	s25 =	simm.s32 $0x1;
	v19 =	vor.u32 v19, v25;
	v29 =	vor.u32 v27, v25;
	v27 =	vand.u32 $0x7000, v28;
	v16 =	vld.idx.msk @!p0 [tilespmem:v16+s17+$0x0], $0xffff  }
0x43: {  	v18 =	vor.u32 v18, v25;
	v28 =	vor.u32 v27, v17;
	v27 =	vadd.s32 s19, v14;
	s17 =	sand.u32 $0x7, s25  }
0x44: {  	v26 =	vor.u32 v26, v25;
	v34 =	vshll.u32 v27, $0x9;
	v28 =	vor.u32 v7, v28;
	s28 =	sshll.u32 s17, $0x3  }
0x45: {  	v22 =	vadd.s32 s28, v0;
	v38 =	vadd.s32 s28, v2;
	v41 =	vadd.s32 s28, v8  }
0x46: {  	v48 =	vadd.s32 s28, v10;
	v49 =	vadd.s32 s28, v12;
	v39 =	vshll.u32 v22, $0x9  }
0x47: {  	s26 =	simm.s32 $0x2;
	v40 =	vshll.u32 v38, $0x9;
	v38 =	vand.u32 $0x3F, v38;
	v42 =	vand.u32 $0x3F, v41;
	[tilespmem:s18+$0x8A80] =	vst @!p0 v16  }
0x48: {  	v52 =	vshll.u32 v48, $0x9;
	v48 =	vand.u32 $0x3F, v48;
	v39 =	vand.u32 $0x7000, v39;
	s18 =	sand.u32 $0x1F0, s26;
	v19 =	vld.idx.msk [tilespmem:v19+s9+$0x0], $0xffff  }
0x49: {  	v40 =	vand.u32 $0x7000, v40;
	v16 =	vand.u32 $0x7000, v31;
	v31 =	vand.u32 $0x7000, v33;
	v36 =	vld [tilespmem:s18+$0x0]  }
0x4a: {  	v35 =	vor.u32 v16, v17;
	v33 =	vor.u32 v31, v17;
	v16 =	vmov s18  }
0x4b: {  	v31 =	vand.u32 $0x7000, v34;
	v62 =	vor.u32 s18, v0;
	v16 =	vshll.u32 v16, $0x3  }
0x4c: {  	v34 =	vand.u32 $0x7F, v62;
	v17 =	vor.u32 v31, v17;
	v31 =	vand.u32 $0x3F, v32  }
0x4d: {  	v16 =	vand.u32 $0xC00, v16;
	v17 =	vor.u32 v15, v17;
	v51 =	vor.u32 v31, v25;
	[tilespmem:v21+s12+$0x0] =	vst.idx.msk $0xffff, v19  }
0x4e: {  	v34 =	vor.u32 v16, v34;
	v19 =	vand.u32 $0x3F, v22;
	v16 =	vshll.u32 v36, $0x7;
	v18 =	vld.idx.msk [tilespmem:v18+s9+$0x0], $0xffff  }
0x4f: {  	v21 =	vor.u32 v39, v34;
	v22 =	vadd.s32 s28, v4;
	v63 =	vor.u32 v19, v16  }
0x50: {  	v38 =	vor.u32 v38, v16;
	v19 =	vor.u32 v40, v34;
	v40 =	vadd.s32 s28, v6  }
0x51: {  	p0 =	sne.s32 s17, $0x0;
	v43 =	vand.u32 $0x3F, v22;
	v22 =	vshll.u32 v22, $0x9;
	v45 =	vor.u32 v1, v21  }
0x52: {  	s17 =	simm.s32 @!p0 $0xA00;
	v44 =	vshll.u32 v40, $0x9;
	v43 =	vor.u32 v43, v16;
	v22 =	vand.u32 $0x7000, v22  }
0x53: {  	v46 =	vor.u32 v3, v19;
	v19 =	vand.u32 $0x3F, v24;
	v44 =	vand.u32 $0x7000, v44;
	v21 =	vld.idx.msk @!p0 [tilespmem:v36+s17+$0x0], $0xffff;
	[tilespmem:v20+s12+$0x0] =	vst.idx.msk $0xffff, v18  }
0x54: {  	s29 =	simm.s32 $0x2;
	v24 =	vor.u32 v22, v34;
	v47 =	vor.u32 v19, v25;
	v19 =	vshll.u32 v41, $0x9;
	v29 =	vld.idx.msk [tilespmem:v29+s9+$0x0], $0xffff  }
0x55: {  	v41 =	vand.u32 $0x7000, v52;
	s17 =	sand.u32 $0x7, s29;
	v36 =	vor.u32 v9, v23;
	v19 =	vand.u32 $0x7000, v19  }
0x56: {  	v52 =	vor.u32 v11, v35;
	v44 =	vor.u32 v44, v34;
	s31 =	sshll.u32 s17, $0x3;
	v22 =	vor.u32 v19, v34  }
0x57: {  	v19 =	vshll.u32 v49, $0x9;
	v54 =	vadd.s32 s31, v2;
	v57 =	vadd.s32 s31, v8  }
0x58: {  	v49 =	vand.u32 $0x3F, v49;
	v18 =	vor.u32 v42, v16;
	v20 =	vadd.s32 s28, v14;
	[tilespmem:s18+$0x8A80] =	vst @!p0 v21  }
0x59: {  	v19 =	vand.u32 $0x7000, v19;
	v56 =	vshll.u32 v54, $0x9;
	v60 =	vand.u32 $0x3F, v57;
	v39 =	vld.idx.msk [tilespmem:v63+s9+$0x0], $0xffff;
	[tilespmem:v37+s12+$0x0] =	vst.idx.msk $0xffff, v29  }
0x5a: {  	s30 =	simm.s32 $0x4;
	v57 =	vshll.u32 v57, $0x9;
	v53 =	vshll.u32 v20, $0x9;
	v29 =	vand.u32 $0x3F, v30;
	v30 =	vld.idx.msk [tilespmem:v47+s9+$0x0], $0xffff  }
0x5b: {  	v19 =	vor.u32 v19, v34;
	v58 =	vand.u32 $0x7000, v56;
	v56 =	vand.u32 $0x3F, v40;
	s18 =	sand.u32 $0x1F0, s30  }
0x5c: {  	v21 =	vor.u32 v41, v34;
	v50 =	vand.u32 $0x7000, v53;
	v32 =	vld [tilespmem:s18+$0x0];
	v23 =	vmov s18  }
0x5d: {  	v31 =	vor.u32 s18, v0;
	v34 =	vor.u32 v50, v34;
	v23 =	vshll.u32 v23, $0x3  }
0x5e: {  	v31 =	vand.u32 $0x7F, v31;
	v34 =	vor.u32 v15, v34;
	v23 =	vand.u32 $0xC00, v23;
	[tilespmem:v45+s12+$0x0] =	vst.idx.msk $0xffff, v39  }
0x5f: {  	v40 =	vadd.s32 s31, v10;
	v23 =	vor.u32 v23, v31;
	v31 =	vand.u32 $0x3F, v54;
	v38 =	vld.idx.msk [tilespmem:v38+s9+$0x0], $0xffff;
	[tilespmem:v28+s12+$0x0] =	vst.idx.msk $0xffff, v30  }
0x60: {  	v29 =	vor.u32 v29, v25;
	v47 =	vor.u32 v5, v24;
	v24 =	vadd.s32 s31, v0;
	v59 =	vld.idx.msk [tilespmem:v26+s9+$0x0], $0xffff  }
0x61: {  	v55 =	vshll.u32 v24, $0x9;
	v28 =	vand.u32 $0x3F, v24;
	v24 =	vshll.u32 v32, $0x7  }
0x62: {  	p0 =	sne.s32 s17, $0x0;
	v35 =	vor.u32 v58, v23;
	v45 =	vor.u32 v28, v24;
	v28 =	vadd.s32 s31, v4  }
0x63: {  	s17 =	simm.s32 @!p0 $0xA00;
	v58 =	vshll.u32 v40, $0x9;
	v37 =	vand.u32 $0x7000, v55;
	v53 =	vshll.u32 v28, $0x9  }
0x64: {  	v30 =	vor.u32 v37, v23;
	v26 =	vadd.s32 s31, v6;
	[tilespmem:v46+s12+$0x0] =	vst.idx.msk $0xffff, v38;
	v62 =	vand.u32 $0x7000, v53;
	v53 =	vld.idx.msk @!p0 [tilespmem:v32+s17+$0x0], $0xffff  }
0x65: {  	v37 =	vadd.s32 s31, v14;
	v31 =	vor.u32 v31, v24;
	v54 =	vshll.u32 v26, $0x9;
	v43 =	vld.idx.msk [tilespmem:v43+s9+$0x0], $0xffff;
	[tilespmem:v36+s12+$0x0] =	vst.idx.msk $0xffff, v59  }
0x66: {  	v61 =	vand.u32 $0x3F, v28;
	v63 =	vand.u32 $0x7000, v54;
	v54 =	vor.u32 v56, v16;
	v55 =	vld.idx.msk [tilespmem:v29+s9+$0x0], $0xffff  }
0x67: {  	v38 =	vor.u32 v1, v30;
	v28 =	vor.u32 v61, v24;
	v32 =	vor.u32 v3, v35  }
0x68: {  	v35 =	vor.u32 v60, v24;
	v39 =	vor.u32 v62, v23;
	v62 =	vshll.u32 v37, $0x9  }
0x69: {  	v30 =	vor.u32 v63, v23;
	v63 =	vand.u32 $0x3F, v27;
	v27 =	vand.u32 $0x7000, v62;
	[tilespmem:s18+$0x8A80] =	vst @!p0 v53  }
0x6a: {  	v25 =	vor.u32 v63, v25;
	v36 =	vand.u32 $0x7000, v57;
	v29 =	vadd.s32 s31, v12;
	[tilespmem:v47+s12+$0x0] =	vst.idx.msk $0xffff, v43;
	v46 =	vld.idx.msk [tilespmem:v45+s9+$0x0], $0xffff  }
0x6b: {  	v59 =	vand.u32 $0x7000, v58;
	v60 =	vshll.u32 v29, $0x9;
	v47 =	vor.u32 v7, v44;
	v45 =	vld.idx.msk [tilespmem:v54+s9+$0x0], $0xffff;
	[tilespmem:v52+s12+$0x0] =	vst.idx.msk $0xffff, v55  }
0x6c: {  	v41 =	vor.u32 v36, v23;
	v44 =	vor.u32 v13, v33;
	v61 =	vand.u32 $0x7000, v60;
	v43 =	vld.idx.msk [tilespmem:v51+s9+$0x0], $0xffff  }
0x6d: {  	s17 =	simm.s32 $0x3;
	v42 =	vor.u32 v59, v23;
	s18 =	simm.s32 $0x6;
	v33 =	vor.u32 v49, v16;
	v36 =	vor.u32 v61, v23  }
.LBB2_2:
0x6e: {  	s21 =	sand.u32 $0x7, s17;
	s19 =	sand.u32 $0x1F0, s18;
	s17 =	sadd.s32 $0x1, s17;
	v49 =	vor.u32 v9, v22;
	v48 =	vor.u32 v48, v16;
	v50 =	vor.u32 v11, v21;
	v51 =	vmovc v40  }
0x6f: {  	v54 =	vor.u32 v5, v39;
	v22 =	vmovc v41;
	v21 =	vmovc v42;
	v40 =	vld [tilespmem:s19+$0x0];
	v52 =	vmov s19;
	v53 =	vor.u32 s19, v0;
	s20 =	sshll.u32 s21, $0x3;
	p0 =	sne.s32 s17, $0x100;
	[tilespmem:v38+s12+$0x0] =	vst.idx.msk $0xffff, v46  }
0x70: {  	v38 =	vadd.s32 s20, v0;
	v39 =	vshll.u32 v52, $0x3;
	v41 =	vadd.s32 s20, v2;
	v42 =	vld.idx.msk [tilespmem:v31+s9+$0x0], $0xffff;
	[tilespmem:v47+s12+$0x0] =	vst.idx.msk $0xffff, v45;
	v47 =	vmovc v20  }
0x71: {  	v46 =	vshll.u32 v38, $0x9;
	v31 =	vand.u32 $0xC00, v39;
	v39 =	vshll.u32 v41, $0x9;
	v45 =	vld.idx.msk [tilespmem:v18+s9+$0x0], $0xffff;
	[tilespmem:v44+s12+$0x0] =	vst.idx.msk $0xffff, v43;
	v18 =	vmovc v35  }
0x72: {  	v20 =	vmovc v37;
	v35 =	vand.u32 $0x7F, v53;
	v44 =	vadd.s32 s20, v8;
	v43 =	vand.u32 $0x7000, v46;
	v25 =	vld.idx.msk [tilespmem:v25+s9+$0x0], $0xffff;
	v52 =	vmovc v19  }
0x73: {  	v53 =	vor.u32 v31, v35;
	v31 =	vand.u32 $0x3F, v41;
	v35 =	vand.u32 $0x7000, v39;
	v19 =	vmovc v36  }
0x74: {  	v36 =	vand.u32 $0x3F, v38;
	v37 =	vor.u32 v43, v53;
	v55 =	vshll.u32 v40, $0x7  }
0x75: {  	p1 =	sne.s32 s21, $0x0;
	v35 =	vor.u32 v35, v53;
	v36 =	vor.u32 v36, v55;
	v31 =	vor.u32 v31, v55  }
0x76: {  	s21 =	simm.s32 @!p1 $0xA00;
	v38 =	vadd.s32 s20, v4;
	v39 =	vadd.s32 s20, v6;
	v41 =	vand.u32 $0x3F, v44;
	[tilespmem:v32+s12+$0x0] =	vst.idx.msk $0xffff, v42  }
0x77: {  	v32 =	vand.u32 $0x3F, v38;
	v38 =	vshll.u32 v38, $0x9;
	v42 =	vld.idx.msk @!p1 [tilespmem:v40+s21+$0x0], $0xffff;
	v40 =	vshll.u32 v39, $0x9;
	[tilespmem:v49+s12+$0x0] =	vst.idx.msk $0xffff, v45  }
0x78: {  	v43 =	vand.u32 $0x7000, v38;
	v40 =	vand.u32 $0x7000, v40;
	v45 =	vld.idx.msk [tilespmem:v28+s9+$0x0], $0xffff;
	v28 =	vor.u32 v32, v55;
	[tilespmem:v17+s12+$0x0] =	vst.idx.msk $0xffff, v25  }
0x79: {  	v38 =	vor.u32 v1, v37;
	v32 =	vor.u32 v3, v35;
	v35 =	vand.u32 $0x3F, v26;
	v26 =	vmovc v39;
	v25 =	vld.idx.msk [tilespmem:v48+s9+$0x0], $0xffff  }
0x7a: {  	v39 =	vor.u32 v43, v53;
	v17 =	vmovc v34;
	v48 =	vor.u32 v40, v53;
	v43 =	vor.u32 v35, v24  }
0x7b: {  	v34 =	vshll.u32 v44, $0x9;
	v35 =	vor.u32 v41, v55;
	v40 =	vadd.s32 s20, v10  }
0x7c: {  	v49 =	vadd.s32 s20, v12;
	v34 =	vand.u32 $0x7000, v34;
	v37 =	vshll.u32 v40, $0x9  }
0x7d: {  	v41 =	vor.u32 v34, v53;
	v34 =	vand.u32 $0x7000, v37;
	v37 =	vshll.u32 v49, $0x9;
	[tilespmem:s19+$0x8A80] =	vst @!p1 v42  }
.Ltmp0:
0x7e: {  	v42 =	vor.u32 v34, v53;
	v34 =	vand.u32 $0x7000, v37;
	v37 =	vadd.s32 s20, v14;
	v46 =	vld.idx.msk [tilespmem:v36+s9+$0x0], $0xffff;
	[tilespmem:v54+s12+$0x0] =	vst.idx.msk $0xffff, v45;
	(pc) =	sbr.rel @p0 .LBB2_2-.Ltmp0, $4  }
0x7f: {  	v36 =	vor.u32 v34, v53;
	v34 =	vshll.u32 v37, $0x9;
	v45 =	vld.idx.msk [tilespmem:v43+s9+$0x0], $0xffff;
	[tilespmem:v50+s12+$0x0] =	vst.idx.msk $0xffff, v25;
	v25 =	vand.u32 $0x3F, v47  }
0x80: {  	v47 =	vor.u32 v7, v30;
	v50 =	vor.u32 v27, v23;
	v27 =	vand.u32 $0x7000, v34;
	v23 =	vmovc v53;
	v43 =	vld.idx.msk [tilespmem:v33+s9+$0x0], $0xffff  }
0x81: {  	v44 =	vor.u32 v13, v52;
	v30 =	vmovc v48;
	v33 =	vand.u32 $0x3F, v29;
	v34 =	vor.u32 v15, v50;
	v29 =	vmovc v49  }
0x82: {  	s18 =	sadd.s32 $0x2, s18;
	v48 =	vand.u32 $0x3F, v51;
	v25 =	vor.u32 v25, v16;
	v16 =	vmovc v24;
	v33 =	vor.u32 v33, v24;
	v24 =	vmovc v55  }
0x83: {  	_ =	sdelay $0x3  }
0x84: {  	[tilespmem:v38+s12+$0x0] =	vst.idx.msk $0xffff, v46  }
0x85: {  	v31 =	vld.idx.msk [tilespmem:v31+s9+$0x0], $0xffff;
	_ =	sdelay $0x4  }
0x86: {  	[tilespmem:v32+s12+$0x0] =	vst.idx.msk $0xffff, v31  }
0x87: {  	v46 =	vor.u32 v5, v39;
	v26 =	vand.u32 $0x3F, v26;
	v28 =	vld.idx.msk [tilespmem:v28+s9+$0x0], $0xffff  }
0x88: {  	v26 =	vor.u32 v26, v24;
	_ =	sdelay $0x3  }
0x89: {  	[tilespmem:v46+s12+$0x0] =	vst.idx.msk $0xffff, v28  }
0x8a: {  	v49 =	vor.u32 v7, v30;
	v26 =	vld.idx.msk [tilespmem:v26+s9+$0x0], $0xffff;
	_ =	sdelay $0x3  }
0x8b: {  	[tilespmem:v47+s12+$0x0] =	vst.idx.msk $0xffff, v45  }
0x8c: {  	v22 =	vor.u32 v9, v22;
	v18 =	vld.idx.msk [tilespmem:v18+s9+$0x0], $0xffff;
	[tilespmem:v49+s12+$0x0] =	vst.idx.msk $0xffff, v26  }
0x8d: {  	v50 =	vor.u32 v48, v16;
	v51 =	vand.u32 $0x3F, v40;
	v52 =	vor.u32 v9, v41;
	v31 =	vld.idx.msk [tilespmem:v35+s9+$0x0], $0xffff  }
0x8e: {  	v28 =	vor.u32 v51, v24;
	_ =	sdelay $0x2  }
0x8f: {  	[tilespmem:v22+s12+$0x0] =	vst.idx.msk $0xffff, v18  }
0x90: {  	v53 =	vor.u32 v11, v21;
	v54 =	vld.idx.msk [tilespmem:v50+s9+$0x0], $0xffff;
	[tilespmem:v52+s12+$0x0] =	vst.idx.msk $0xffff, v31  }
0x91: {  	v55 =	vand.u32 $0x3F, v29;
	v56 =	vor.u32 v11, v42;
	v28 =	vld.idx.msk [tilespmem:v28+s9+$0x0], $0xffff  }
0x92: {  	v22 =	vor.u32 v55, v24;
	_ =	sdelay $0x2  }
0x93: {  	[tilespmem:v53+s12+$0x0] =	vst.idx.msk $0xffff, v54  }
0x94: {  	v57 =	vand.u32 $0x3F, v20;
	v19 =	vor.u32 v13, v19;
	v58 =	vld.idx.msk [tilespmem:v33+s9+$0x0], $0xffff;
	[tilespmem:v56+s12+$0x0] =	vst.idx.msk $0xffff, v28  }
0x95: {  	v59 =	vand.u32 $0x3F, v37;
	v61 =	vor.u32 v13, v36;
	v16 =	vor.u32 v57, v16;
	v60 =	vld.idx.msk [tilespmem:v22+s9+$0x0], $0xffff  }
0x96: {  	v18 =	vor.u32 v59, v24;
	_ =	sdelay $0x1  }
0x97: {  	[tilespmem:v44+s12+$0x0] =	vst.idx.msk $0xffff, v43  }
0x98: {  	v62 =	vld.idx.msk [tilespmem:v25+s9+$0x0], $0xffff;
	[tilespmem:v19+s12+$0x0] =	vst.idx.msk $0xffff, v58  }
0x99: {  	v63 =	vor.u32 v27, v23;
	v16 =	vld.idx.msk [tilespmem:v16+s9+$0x0], $0xffff;
	[tilespmem:v61+s12+$0x0] =	vst.idx.msk $0xffff, v60  }
0x9a: {  	v19 =	vor.u32 v15, v63;
	v18 =	vld.idx.msk [tilespmem:v18+s9+$0x0], $0xffff;
	_ =	sdelay $0x2  }
0x9b: {  	[tilespmem:v17+s12+$0x0] =	vst.idx.msk $0xffff, v62  }
0x9c: {  	[tilespmem:v34+s12+$0x0] =	vst.idx.msk $0xffff, v16  }
0x9d: {  	[tilespmem:v19+s12+$0x0] =	vst.idx.msk $0xffff, v18  }
0x9e: {  	[hbm4b:s6+s13] =	stream.strided.scatter [tilespmem:s12], [sflag:$0x1], $0x8000, s14, s13, $0x38;
	[tilespmem:$0x8C80] =	vst v63  }
0x9f: {  	s16 =	sadd.s32 $0x1, s16  }
0xa0: {  	[hbm4b:s7+s4] =	stream.linear.scatter [tilespmem:s15], [sflag:$0x1], $0x200, $0x38;
	[tilespmem:$0x8C80] =	vst v63  }
0xa1: {  	p0 =	sne.s32 s16, s8;
	_ =	swait.ge [sflag:s11], $0x8000  }
.Ltmp1:
0xa2: {  	[sflag:s11] =	ssyncset.done $0x0;
	(pc) =	sbr.rel @p0 .LBB2_1-.Ltmp1, $4  }
0xa3: {  	[sflag:s11] =	ssyncadd.s32 $0xFFFF8000  }
0xa4: {  	_ =	swait.ge [sflag:s11], $0x200  }
0xa5: {  	[sflag:s11] =	ssyncset.done $0x0  }
0xa6: {  	[sflag:s11] =	ssyncadd.s32 $0xFFFFFE00  }
0xa7: {  	_ =	sfence.sel $0x180000  }
0xa8: {  	[bflag:$0x0] =	sbarrier.arrive $0xFFFF  }
0xa9: {  	p0 =	sne.s32 s3, $0x0;
	_ =	strace $0x90000047  }
0xaa: {  	s0 =	sadd.s32 @!p0 $0x100000, s2;
	[bflag:$0x2] =	sbarrier.arrive $0xFFFF  }
0xab: {  	[sflag:s0] =	ssyncadd.tile.s32 @!p0 $0x1;
	_ =	shalt  }
.Lfunc_end2:
_tile_overlayer_lowered:
.L_overlay_start_2:
0xac: {  	(tag) =	ssettag $0x2  }
0xad: {  	s0 =	rddreg [dreg:$0x0];
	s2 =	stileid.u32  }
0xae: {  	s1 =	rddreg [dreg:$0x1];
	p0 =	sne.s32 s2, $0x0  }
0xaf: {  	s3 =	rddreg [dreg:$0x2];
	[bflag:$0x3] =	sbarrier.arrive $0xFFFF;
	s2 =	simm.s32 @!p0 $0x1C02  }
0xb0: {  	[timem:s3], [sflag:s2] =	dma.local @!p0 [hbm:s0], s1  }
0xb1: {  	s0 =	simm.s32 @!p0 $0x2  }
0xb2: {  	_ =	swait.ge @!p0 [sflag:s0], s1  }
0xb3: {  	s1 =	ssub.s32 @!p0 $0x0, s1;
	[sflag:s0] =	ssyncset.done @!p0 $0x0  }
0xb4: {  	[sflag:s0] =	ssyncadd.s32 @!p0 s1  }
0xb5: {  	[bflag:$0x3] =	sbarrier.arrive $0xFFFF  }
0xb6: {  	_ =	shalt  }

</sc_bundles>
